<compile_context>
chip_gen: v7x
topology: tpu7x:2x2x1
jax: 0.10.2.dev20260603
libtpu: 0.0.44.dev20260713+nightly
codegen_flags: <defaults>
</compile_context>

<pallas_src>
import jax
import jax.numpy as jnp
from jax import lax
from jax.experimental import pallas as pl
from jax.experimental.pallas import tpu as pltpu
from jax.experimental.pallas import tpu_sc as plsc

VOCAB = 100000
EMB = 128
OUT = 64
B = 4096
F = 26

NC, NS = 2, 16
NW = NC * NS
TOK = B * F
CHUNK = 128
N_CHUNK = TOK // (NW * CHUNK)
PER_W = N_CHUNK * CHUNK

PROJ_BLK = 4000


def _proj_body(x_ref, w_ref, b_ref, o_ref):
    i = pl.program_id(0)
    x = x_ref[...]
    row = lax.broadcasted_iota(jnp.int32, (PROJ_BLK, 1), 0) + i * PROJ_BLK
    x = jnp.where(row == 0, 0.0, x)
    y = jnp.dot(x, w_ref[...], preferred_element_type=jnp.float32) + b_ref[...]
    half = PROJ_BLK // 2
    o_ref[...] = jnp.concatenate([y[:half], y[half:]], axis=1)


def _project(table, w, b):
    return pl.pallas_call(
        _proj_body,
        grid=(VOCAB // PROJ_BLK,),
        in_specs=[
            pl.BlockSpec((PROJ_BLK, EMB), lambda i: (i, 0)),
            pl.BlockSpec((EMB, OUT), lambda i: (0, 0)),
            pl.BlockSpec((1, OUT), lambda i: (0, 0)),
        ],
        out_specs=pl.BlockSpec((PROJ_BLK // 2, 2 * OUT), lambda i: (i, 0)),
        out_shape=jax.ShapeDtypeStruct((VOCAB // 2, 2 * OUT), jnp.float32),
    )(table, w, b.reshape(1, OUT))


DEPTH = 4


def _gather_body(p_hbm, idx_hbm, out_hbm, idx_v, *bufs):
    rows = bufs[:DEPTH]
    sg = bufs[DEPTH:]
    wid = lax.axis_index("s") * NC + lax.axis_index("c")
    pltpu.sync_copy(idx_hbm.at[wid], idx_v)
    base = wid * PER_W

    for b in range(DEPTH):
        pltpu.async_copy(p_hbm.at[idx_v.at[b]], rows[b], sg[b])

    def group(g, carry):
        for b in range(DEPTH):
            j = DEPTH * g + b

            @pl.when(j < N_CHUNK)
            def _():
                pltpu.make_async_copy(
                    p_hbm.at[idx_v.at[j]], rows[b], sg[b]
                ).wait()
                pltpu.sync_copy(
                    rows[b], out_hbm.at[pl.ds(base + j * CHUNK, CHUNK)]
                )
                nj = j + DEPTH

                @pl.when(nj < N_CHUNK)
                def _():
                    pltpu.async_copy(p_hbm.at[idx_v.at[nj]], rows[b], sg[b])
        return carry

    lax.fori_loop(0, (N_CHUNK + DEPTH - 1) // DEPTH, group, 0)


_gather = pl.kernel(
    _gather_body,
    out_type=jax.ShapeDtypeStruct((TOK, OUT), jnp.float32),
    mesh=plsc.VectorSubcoreMesh(core_axis_name="c", subcore_axis_name="s"),
    scratch_types=[pltpu.VMEM((N_CHUNK, CHUNK), jnp.int32)]
    + [pltpu.VMEM((CHUNK, OUT), jnp.float32) for _ in range(DEPTH)]
    + [pltpu.SemaphoreType.DMA for _ in range(DEPTH)],
    compiler_params=pltpu.CompilerParams(use_tc_tiling_on_sc=False),
)


def kernel(demo, emb_demo_weight, fc_weight, fc_bias):
    p = _project(
        emb_demo_weight.astype(jnp.float32),
        fc_weight.astype(jnp.float32),
        fc_bias.astype(jnp.float32),
    ).reshape(VOCAB, OUT)
    r = demo.astype(jnp.int32).reshape(NW, N_CHUNK, CHUNK)
    half = PROJ_BLK // 2
    rem = r % PROJ_BLK
    idx = (r - rem) + 2 * (rem % half) + rem // half
    return _gather(p, idx).reshape(B, F * OUT)

# --- scband reference (transcript-rebuilt; emitter-appended) ---
"""Pipeline reference for scband-demo-embed-8950711845030 (READ-ONLY COPY).

The authoritative reference and input builder live on the scoring server;
editing this copy changes nothing except your own understanding.
"""

import jax, jax.numpy as jnp
import numpy as np

VOCAB = 100000
EMB = 128
OUT = EMB // 2
B = 4096
F = 26


def setup_inputs(seed: int = 0) -> dict:
    key = jax.random.key(seed)
    k1, k2, k3, k4 = jax.random.split(key, 4)
    demo = jax.random.randint(k1, (B, F), 0, VOCAB)
    emb_demo_weight = jax.random.normal(k2, (VOCAB, EMB), dtype=jnp.float32)
    fc_weight = jax.random.normal(k3, (EMB, OUT), dtype=jnp.float32) * 0.05
    fc_bias = jax.random.normal(k4, (OUT,), dtype=jnp.float32) * 0.05
    return {
        "demo": demo,
        "emb_demo_weight": emb_demo_weight,
        "fc_weight": fc_weight,
        "fc_bias": fc_bias,
    }


def reference(demo, emb_demo_weight, fc_weight, fc_bias):
    # padding_idx=0: embedding row 0 is forced to zero (and receives no grad)
    tbl = emb_demo_weight.at[0].set(jnp.zeros((EMB,), dtype=emb_demo_weight.dtype))
    demoEmbed = jnp.take(tbl, demo, axis=0)            # [B, F, EMB] gather
    demoEmbed = demoEmbed @ fc_weight + fc_bias        # [B, F, OUT]
    demoEmbed = jnp.reshape(demoEmbed, (demoEmbed.shape[0], -1))  # [B, F*OUT]
    return demoEmbed.astype(jnp.float32)

if __name__ == "__main__":
    import jax
    _d = setup_inputs()
    print(jax.jit(kernel)(*tuple(_d.values())))

</pallas_src>

<mosaic_0001>
#map = affine_map<(d0, d1) -> (0, 0)>
#map1 = affine_map<(d0, d1) -> (0, 0, 0)>
module attributes {stable_mosaic.version = 14 : i64} {
  func.func @_gather_body(%arg0: i32, %arg1: i32, %arg2: memref<100000x64xf32, #tpu.memory_space<hbm>>, %arg3: memref<32x26x128xi32, #tpu.memory_space<hbm>>, %arg4: memref<106496x64xf32, #tpu.memory_space<hbm>>, %arg5: memref<26x128xi32, #tpu.memory_space<vmem>>, %arg6: memref<128x64xf32, #tpu.memory_space<vmem>>, %arg7: memref<128x64xf32, #tpu.memory_space<vmem>>, %arg8: memref<128x64xf32, #tpu.memory_space<vmem>>, %arg9: memref<128x64xf32, #tpu.memory_space<vmem>>, %arg10: memref<!tpu.dma_semaphore, #tpu.memory_space<semaphore_mem>>, %arg11: memref<!tpu.dma_semaphore, #tpu.memory_space<semaphore_mem>>, %arg12: memref<!tpu.dma_semaphore, #tpu.memory_space<semaphore_mem>>, %arg13: memref<!tpu.dma_semaphore, #tpu.memory_space<semaphore_mem>>) attributes {dimension_semantics = [#tpu.dimension_semantics<core_parallel>, #tpu.dimension_semantics<subcore_parallel>], iteration_bounds = array<i64: 2, 16>, scalar_prefetch = 0 : i64, scratch_operands = 9 : i64, tpu.core_type = #tpu.core_type<sc_vector_subcore>, window_params = [{transform_indices = #map}, {transform_indices = #map1}, {transform_indices = #map}]} {
    %mul3A = arith.constant 2 : i32
    %mul3A_0 = arith.muli %arg1, %mul3A : i32
    %add3A = arith.addi %mul3A_0, %arg0 : i32
    "tpu.region"() ({
      %run_scoped3A = tpu.sem_alloc : memref<!tpu.dma_semaphore, #tpu.memory_space<semaphore_mem>>
      %dma_start3A_35 = arith.constant 0 : i32
      %dma_start3A_36 = arith.constant 0 : i32
      %dma_start3A_37 = tpu.memref_slice %arg3[%add3A, %dma_start3A_35, %dma_start3A_36] : memref<32x26x128xi32, #tpu.memory_space<hbm>> -> memref<1x26x128xi32, #tpu.memory_space<hbm>>
      %dma_start3A_38 = tpu.memref_squeeze %dma_start3A_37 : memref<1x26x128xi32, #tpu.memory_space<hbm>> -> memref<26x128xi32, #tpu.memory_space<hbm>>
      %dma_start3A_39 = arith.constant 0 : i32
      %dma_start3A_40 = arith.constant 0 : i32
      %dma_start3A_41 = tpu.memref_slice %arg3[%add3A, %dma_start3A_39, %dma_start3A_40] : memref<32x26x128xi32, #tpu.memory_space<hbm>> -> memref<1x26x128xi32, #tpu.memory_space<hbm>>
      %dma_start3A_42 = tpu.memref_squeeze %dma_start3A_41 : memref<1x26x128xi32, #tpu.memory_space<hbm>> -> memref<26x128xi32, #tpu.memory_space<hbm>>
      tpu.enqueue_dma source(%dma_start3A_42 : memref<26x128xi32, #tpu.memory_space<hbm>>) target(%arg5 : memref<26x128xi32, #tpu.memory_space<vmem>>) target_semaphore(%run_scoped3A : memref<!tpu.dma_semaphore, #tpu.memory_space<semaphore_mem>>)
      %dma_wait3A = arith.constant 0 : i32
      %dma_wait3A_43 = arith.constant 0 : i32
      %dma_wait3A_44 = tpu.memref_slice %arg3[%add3A, %dma_wait3A, %dma_wait3A_43] : memref<32x26x128xi32, #tpu.memory_space<hbm>> -> memref<1x26x128xi32, #tpu.memory_space<hbm>>
      %dma_wait3A_45 = tpu.memref_squeeze %dma_wait3A_44 : memref<1x26x128xi32, #tpu.memory_space<hbm>> -> memref<26x128xi32, #tpu.memory_space<hbm>>
      %dma_wait3A_46 = arith.constant 0 : i32
      %dma_wait3A_47 = arith.constant 0 : i32
      %dma_wait3A_48 = tpu.memref_slice %arg3[%add3A, %dma_wait3A_46, %dma_wait3A_47] : memref<32x26x128xi32, #tpu.memory_space<hbm>> -> memref<1x26x128xi32, #tpu.memory_space<hbm>>
      %dma_wait3A_49 = tpu.memref_squeeze %dma_wait3A_48 : memref<1x26x128xi32, #tpu.memory_space<hbm>> -> memref<26x128xi32, #tpu.memory_space<hbm>>
      tpu.wait_dma2 semaphore(%run_scoped3A : memref<!tpu.dma_semaphore, #tpu.memory_space<semaphore_mem>>) src(%dma_wait3A_49 : memref<26x128xi32, #tpu.memory_space<hbm>>) dst(%arg5 : memref<26x128xi32, #tpu.memory_space<vmem>>)
      tpu.yield
    }) : () -> ()
    %mul3A_1 = arith.constant 3328 : i32
    %mul3A_2 = arith.muli %add3A, %mul3A_1 : i32
    %dma_start3A = arith.constant 0 : i32
    %dma_start3A_3 = arith.constant 0 : i32
    %dma_start3A_4 = tpu.memref_slice %arg5[%dma_start3A, %dma_start3A_3] : memref<26x128xi32, #tpu.memory_space<vmem>> -> memref<1x128xi32, #tpu.memory_space<vmem>>
    %dma_start3A_5 = tpu.memref_squeeze %dma_start3A_4 : memref<1x128xi32, #tpu.memory_space<vmem>> -> memref<128xi32, #tpu.memory_space<vmem>>
    %dma_start3A_6 = arith.constant 0 : i32
    %dma_start3A_7 = arith.constant 0 : i32
    %dma_start3A_8 = tpu.memref_slice %arg2[%dma_start3A_6, %dma_start3A_7] : memref<100000x64xf32, #tpu.memory_space<hbm>> -> memref<100000x64xf32, #tpu.memory_space<hbm>>
    tpu.enqueue_indirect_dma source(%dma_start3A_8 : memref<100000x64xf32, #tpu.memory_space<hbm>>) target(%arg6 : memref<128x64xf32, #tpu.memory_space<vmem>>) offsets(%dma_start3A_5 : memref<128xi32, #tpu.memory_space<vmem>>) semaphore(%arg10 : memref<!tpu.dma_semaphore, #tpu.memory_space<semaphore_mem>>)
    %dma_start3A_9 = arith.constant 1 : i32
    %dma_start3A_10 = arith.constant 0 : i32
    %dma_start3A_11 = tpu.memref_slice %arg5[%dma_start3A_9, %dma_start3A_10] : memref<26x128xi32, #tpu.memory_space<vmem>> -> memref<1x128xi32, #tpu.memory_space<vmem>>
    %dma_start3A_12 = tpu.memref_squeeze %dma_start3A_11 : memref<1x128xi32, #tpu.memory_space<vmem>> -> memref<128xi32, #tpu.memory_space<vmem>>
    %dma_start3A_13 = arith.constant 0 : i32
    %dma_start3A_14 = arith.constant 0 : i32
    %dma_start3A_15 = tpu.memref_slice %arg2[%dma_start3A_13, %dma_start3A_14] : memref<100000x64xf32, #tpu.memory_space<hbm>> -> memref<100000x64xf32, #tpu.memory_space<hbm>>
    tpu.enqueue_indirect_dma source(%dma_start3A_15 : memref<100000x64xf32, #tpu.memory_space<hbm>>) target(%arg7 : memref<128x64xf32, #tpu.memory_space<vmem>>) offsets(%dma_start3A_12 : memref<128xi32, #tpu.memory_space<vmem>>) semaphore(%arg11 : memref<!tpu.dma_semaphore, #tpu.memory_space<semaphore_mem>>)
    %dma_start3A_16 = arith.constant 2 : i32
    %dma_start3A_17 = arith.constant 0 : i32
    %dma_start3A_18 = tpu.memref_slice %arg5[%dma_start3A_16, %dma_start3A_17] : memref<26x128xi32, #tpu.memory_space<vmem>> -> memref<1x128xi32, #tpu.memory_space<vmem>>
    %dma_start3A_19 = tpu.memref_squeeze %dma_start3A_18 : memref<1x128xi32, #tpu.memory_space<vmem>> -> memref<128xi32, #tpu.memory_space<vmem>>
    %dma_start3A_20 = arith.constant 0 : i32
    %dma_start3A_21 = arith.constant 0 : i32
    %dma_start3A_22 = tpu.memref_slice %arg2[%dma_start3A_20, %dma_start3A_21] : memref<100000x64xf32, #tpu.memory_space<hbm>> -> memref<100000x64xf32, #tpu.memory_space<hbm>>
    tpu.enqueue_indirect_dma source(%dma_start3A_22 : memref<100000x64xf32, #tpu.memory_space<hbm>>) target(%arg8 : memref<128x64xf32, #tpu.memory_space<vmem>>) offsets(%dma_start3A_19 : memref<128xi32, #tpu.memory_space<vmem>>) semaphore(%arg12 : memref<!tpu.dma_semaphore, #tpu.memory_space<semaphore_mem>>)
    %dma_start3A_23 = arith.constant 3 : i32
    %dma_start3A_24 = arith.constant 0 : i32
    %dma_start3A_25 = tpu.memref_slice %arg5[%dma_start3A_23, %dma_start3A_24] : memref<26x128xi32, #tpu.memory_space<vmem>> -> memref<1x128xi32, #tpu.memory_space<vmem>>
    %dma_start3A_26 = tpu.memref_squeeze %dma_start3A_25 : memref<1x128xi32, #tpu.memory_space<vmem>> -> memref<128xi32, #tpu.memory_space<vmem>>
    %dma_start3A_27 = arith.constant 0 : i32
    %dma_start3A_28 = arith.constant 0 : i32
    %dma_start3A_29 = tpu.memref_slice %arg2[%dma_start3A_27, %dma_start3A_28] : memref<100000x64xf32, #tpu.memory_space<hbm>> -> memref<100000x64xf32, #tpu.memory_space<hbm>>
    tpu.enqueue_indirect_dma source(%dma_start3A_29 : memref<100000x64xf32, #tpu.memory_space<hbm>>) target(%arg9 : memref<128x64xf32, #tpu.memory_space<vmem>>) offsets(%dma_start3A_26 : memref<128xi32, #tpu.memory_space<vmem>>) semaphore(%arg13 : memref<!tpu.dma_semaphore, #tpu.memory_space<semaphore_mem>>)
    %scan3A = arith.constant 0 : i32
    %scan3A_30 = arith.constant 0 : i32
    %scan3A_31 = arith.constant 7 : i32
    %scan3A_32 = arith.addi %scan3A_30, %scan3A_31 : i32
    %scan3A_33 = arith.constant 1 : i32
    scf.for %scan3A_35 = %scan3A_30 to %scan3A_32 step %scan3A_33  : i32 {
      %mul3A_36 = arith.constant 4 : i32
      %mul3A_37 = arith.muli %mul3A_36, %scan3A_35 : i32
      %add3A_38 = arith.constant 0 : i32
      %add3A_39 = arith.addi %mul3A_37, %add3A_38 : i32
      %lt3A = arith.constant 26 : i32
      %lt3A_40 = arith.cmpi slt, %add3A_39, %lt3A : i32
      %convert_element_type3A = arith.extui %lt3A_40 : i1 to i32
      %cond3A = arith.constant 0 : i32
      %cond3A_41 = arith.cmpi ne, %convert_element_type3A, %cond3A : i32
      scf.if %cond3A_41 {
        %dma_wait3A = arith.constant 0 : i32
        %dma_wait3A_69 = tpu.memref_slice %arg5[%add3A_39, %dma_wait3A] : memref<26x128xi32, #tpu.memory_space<vmem>> -> memref<1x128xi32, #tpu.memory_space<vmem>>
        %dma_wait3A_70 = tpu.memref_squeeze %dma_wait3A_69 : memref<1x128xi32, #tpu.memory_space<vmem>> -> memref<128xi32, #tpu.memory_space<vmem>>
        %dma_wait3A_71 = arith.constant 0 : i32
        %dma_wait3A_72 = arith.constant 0 : i32
        %dma_wait3A_73 = tpu.memref_slice %arg2[%dma_wait3A_71, %dma_wait3A_72] : memref<100000x64xf32, #tpu.memory_space<hbm>> -> memref<100000x64xf32, #tpu.memory_space<hbm>>
        tpu.wait_indirect_dma semaphore(%arg10 : memref<!tpu.dma_semaphore, #tpu.memory_space<semaphore_mem>>) src(%dma_wait3A_73 : memref<100000x64xf32, #tpu.memory_space<hbm>>) dst(%arg6 : memref<128x64xf32, #tpu.memory_space<vmem>>)
        %mul3A_74 = arith.constant 128 : i32
        %mul3A_75 = arith.muli %add3A_39, %mul3A_74 : i32
        %add3A_76 = arith.addi %mul3A_2, %mul3A_75 : i32
        "tpu.region"() ({
          %run_scoped3A = tpu.sem_alloc : memref<!tpu.dma_semaphore, #tpu.memory_space<semaphore_mem>>
          %dma_start3A_84 = arith.constant 0 : i32
          %dma_start3A_85 = tpu.memref_slice %arg4[%add3A_76, %dma_start3A_84] : memref<106496x64xf32, #tpu.memory_space<hbm>> -> memref<128x64xf32, #tpu.memory_space<hbm>>
          %dma_start3A_86 = arith.constant 0 : i32
          %dma_start3A_87 = tpu.memref_slice %arg4[%add3A_76, %dma_start3A_86] : memref<106496x64xf32, #tpu.memory_space<hbm>> -> memref<128x64xf32, #tpu.memory_space<hbm>>
          tpu.enqueue_dma source(%arg6 : memref<128x64xf32, #tpu.memory_space<vmem>>) target(%dma_start3A_87 : memref<128x64xf32, #tpu.memory_space<hbm>>) target_semaphore(%run_scoped3A : memref<!tpu.dma_semaphore, #tpu.memory_space<semaphore_mem>>)
          %dma_wait3A_88 = arith.constant 0 : i32
          %dma_wait3A_89 = tpu.memref_slice %arg4[%add3A_76, %dma_wait3A_88] : memref<106496x64xf32, #tpu.memory_space<hbm>> -> memref<128x64xf32, #tpu.memory_space<hbm>>
          %dma_wait3A_90 = arith.constant 0 : i32
          %dma_wait3A_91 = tpu.memref_slice %arg4[%add3A_76, %dma_wait3A_90] : memref<106496x64xf32, #tpu.memory_space<hbm>> -> memref<128x64xf32, #tpu.memory_space<hbm>>
          tpu.wait_dma2 semaphore(%run_scoped3A : memref<!tpu.dma_semaphore, #tpu.memory_space<semaphore_mem>>) src(%arg6 : memref<128x64xf32, #tpu.memory_space<vmem>>) dst(%dma_wait3A_91 : memref<128x64xf32, #tpu.memory_space<hbm>>)
          tpu.yield
        }) : () -> ()
        %add3A_77 = arith.constant 4 : i32
        %add3A_78 = arith.addi %add3A_39, %add3A_77 : i32
        %lt3A_79 = arith.constant 26 : i32
        %lt3A_80 = arith.cmpi slt, %add3A_78, %lt3A_79 : i32
        %convert_element_type3A_81 = arith.extui %lt3A_80 : i1 to i32
        %cond3A_82 = arith.constant 0 : i32
        %cond3A_83 = arith.cmpi ne, %convert_element_type3A_81, %cond3A_82 : i32
        scf.if %cond3A_83 {
          %dma_start3A_84 = arith.constant 0 : i32
          %dma_start3A_85 = tpu.memref_slice %arg5[%add3A_78, %dma_start3A_84] : memref<26x128xi32, #tpu.memory_space<vmem>> -> memref<1x128xi32, #tpu.memory_space<vmem>>
          %dma_start3A_86 = tpu.memref_squeeze %dma_start3A_85 : memref<1x128xi32, #tpu.memory_space<vmem>> -> memref<128xi32, #tpu.memory_space<vmem>>
          %dma_start3A_87 = arith.constant 0 : i32
          %dma_start3A_88 = arith.constant 0 : i32
          %dma_start3A_89 = tpu.memref_slice %arg2[%dma_start3A_87, %dma_start3A_88] : memref<100000x64xf32, #tpu.memory_space<hbm>> -> memref<100000x64xf32, #tpu.memory_space<hbm>>
          tpu.enqueue_indirect_dma source(%dma_start3A_89 : memref<100000x64xf32, #tpu.memory_space<hbm>>) target(%arg6 : memref<128x64xf32, #tpu.memory_space<vmem>>) offsets(%dma_start3A_86 : memref<128xi32, #tpu.memory_space<vmem>>) semaphore(%arg10 : memref<!tpu.dma_semaphore, #tpu.memory_space<semaphore_mem>>)
        } else {
        }
      } else {
      }
      %mul3A_42 = arith.constant 4 : i32
      %mul3A_43 = arith.muli %mul3A_42, %scan3A_35 : i32
      %add3A_44 = arith.constant 1 : i32
      %add3A_45 = arith.addi %mul3A_43, %add3A_44 : i32
      %lt3A_46 = arith.constant 26 : i32
      %lt3A_47 = arith.cmpi slt, %add3A_45, %lt3A_46 : i32
      %convert_element_type3A_48 = arith.extui %lt3A_47 : i1 to i32
      %cond3A_49 = arith.constant 0 : i32
      %cond3A_50 = arith.cmpi ne, %convert_element_type3A_48, %cond3A_49 : i32
      scf.if %cond3A_50 {
        %dma_wait3A = arith.constant 0 : i32
        %dma_wait3A_69 = tpu.memref_slice %arg5[%add3A_45, %dma_wait3A] : memref<26x128xi32, #tpu.memory_space<vmem>> -> memref<1x128xi32, #tpu.memory_space<vmem>>
        %dma_wait3A_70 = tpu.memref_squeeze %dma_wait3A_69 : memref<1x128xi32, #tpu.memory_space<vmem>> -> memref<128xi32, #tpu.memory_space<vmem>>
        %dma_wait3A_71 = arith.constant 0 : i32
        %dma_wait3A_72 = arith.constant 0 : i32
        %dma_wait3A_73 = tpu.memref_slice %arg2[%dma_wait3A_71, %dma_wait3A_72] : memref<100000x64xf32, #tpu.memory_space<hbm>> -> memref<100000x64xf32, #tpu.memory_space<hbm>>
        tpu.wait_indirect_dma semaphore(%arg11 : memref<!tpu.dma_semaphore, #tpu.memory_space<semaphore_mem>>) src(%dma_wait3A_73 : memref<100000x64xf32, #tpu.memory_space<hbm>>) dst(%arg7 : memref<128x64xf32, #tpu.memory_space<vmem>>)
        %mul3A_74 = arith.constant 128 : i32
        %mul3A_75 = arith.muli %add3A_45, %mul3A_74 : i32
        %add3A_76 = arith.addi %mul3A_2, %mul3A_75 : i32
        "tpu.region"() ({
          %run_scoped3A = tpu.sem_alloc : memref<!tpu.dma_semaphore, #tpu.memory_space<semaphore_mem>>
          %dma_start3A_84 = arith.constant 0 : i32
          %dma_start3A_85 = tpu.memref_slice %arg4[%add3A_76, %dma_start3A_84] : memref<106496x64xf32, #tpu.memory_space<hbm>> -> memref<128x64xf32, #tpu.memory_space<hbm>>
          %dma_start3A_86 = arith.constant 0 : i32
          %dma_start3A_87 = tpu.memref_slice %arg4[%add3A_76, %dma_start3A_86] : memref<106496x64xf32, #tpu.memory_space<hbm>> -> memref<128x64xf32, #tpu.memory_space<hbm>>
          tpu.enqueue_dma source(%arg7 : memref<128x64xf32, #tpu.memory_space<vmem>>) target(%dma_start3A_87 : memref<128x64xf32, #tpu.memory_space<hbm>>) target_semaphore(%run_scoped3A : memref<!tpu.dma_semaphore, #tpu.memory_space<semaphore_mem>>)
          %dma_wait3A_88 = arith.constant 0 : i32
          %dma_wait3A_89 = tpu.memref_slice %arg4[%add3A_76, %dma_wait3A_88] : memref<106496x64xf32, #tpu.memory_space<hbm>> -> memref<128x64xf32, #tpu.memory_space<hbm>>
          %dma_wait3A_90 = arith.constant 0 : i32
          %dma_wait3A_91 = tpu.memref_slice %arg4[%add3A_76, %dma_wait3A_90] : memref<106496x64xf32, #tpu.memory_space<hbm>> -> memref<128x64xf32, #tpu.memory_space<hbm>>
          tpu.wait_dma2 semaphore(%run_scoped3A : memref<!tpu.dma_semaphore, #tpu.memory_space<semaphore_mem>>) src(%arg7 : memref<128x64xf32, #tpu.memory_space<vmem>>) dst(%dma_wait3A_91 : memref<128x64xf32, #tpu.memory_space<hbm>>)
          tpu.yield
        }) : () -> ()
        %add3A_77 = arith.constant 4 : i32
        %add3A_78 = arith.addi %add3A_45, %add3A_77 : i32
        %lt3A_79 = arith.constant 26 : i32
        %lt3A_80 = arith.cmpi slt, %add3A_78, %lt3A_79 : i32
        %convert_element_type3A_81 = arith.extui %lt3A_80 : i1 to i32
        %cond3A_82 = arith.constant 0 : i32
        %cond3A_83 = arith.cmpi ne, %convert_element_type3A_81, %cond3A_82 : i32
        scf.if %cond3A_83 {
          %dma_start3A_84 = arith.constant 0 : i32
          %dma_start3A_85 = tpu.memref_slice %arg5[%add3A_78, %dma_start3A_84] : memref<26x128xi32, #tpu.memory_space<vmem>> -> memref<1x128xi32, #tpu.memory_space<vmem>>
          %dma_start3A_86 = tpu.memref_squeeze %dma_start3A_85 : memref<1x128xi32, #tpu.memory_space<vmem>> -> memref<128xi32, #tpu.memory_space<vmem>>
          %dma_start3A_87 = arith.constant 0 : i32
          %dma_start3A_88 = arith.constant 0 : i32
          %dma_start3A_89 = tpu.memref_slice %arg2[%dma_start3A_87, %dma_start3A_88] : memref<100000x64xf32, #tpu.memory_space<hbm>> -> memref<100000x64xf32, #tpu.memory_space<hbm>>
          tpu.enqueue_indirect_dma source(%dma_start3A_89 : memref<100000x64xf32, #tpu.memory_space<hbm>>) target(%arg7 : memref<128x64xf32, #tpu.memory_space<vmem>>) offsets(%dma_start3A_86 : memref<128xi32, #tpu.memory_space<vmem>>) semaphore(%arg11 : memref<!tpu.dma_semaphore, #tpu.memory_space<semaphore_mem>>)
        } else {
        }
      } else {
      }
      %mul3A_51 = arith.constant 4 : i32
      %mul3A_52 = arith.muli %mul3A_51, %scan3A_35 : i32
      %add3A_53 = arith.constant 2 : i32
      %add3A_54 = arith.addi %mul3A_52, %add3A_53 : i32
      %lt3A_55 = arith.constant 26 : i32
      %lt3A_56 = arith.cmpi slt, %add3A_54, %lt3A_55 : i32
      %convert_element_type3A_57 = arith.extui %lt3A_56 : i1 to i32
      %cond3A_58 = arith.constant 0 : i32
      %cond3A_59 = arith.cmpi ne, %convert_element_type3A_57, %cond3A_58 : i32
      scf.if %cond3A_59 {
        %dma_wait3A = arith.constant 0 : i32
        %dma_wait3A_69 = tpu.memref_slice %arg5[%add3A_54, %dma_wait3A] : memref<26x128xi32, #tpu.memory_space<vmem>> -> memref<1x128xi32, #tpu.memory_space<vmem>>
        %dma_wait3A_70 = tpu.memref_squeeze %dma_wait3A_69 : memref<1x128xi32, #tpu.memory_space<vmem>> -> memref<128xi32, #tpu.memory_space<vmem>>
        %dma_wait3A_71 = arith.constant 0 : i32
        %dma_wait3A_72 = arith.constant 0 : i32
        %dma_wait3A_73 = tpu.memref_slice %arg2[%dma_wait3A_71, %dma_wait3A_72] : memref<100000x64xf32, #tpu.memory_space<hbm>> -> memref<100000x64xf32, #tpu.memory_space<hbm>>
        tpu.wait_indirect_dma semaphore(%arg12 : memref<!tpu.dma_semaphore, #tpu.memory_space<semaphore_mem>>) src(%dma_wait3A_73 : memref<100000x64xf32, #tpu.memory_space<hbm>>) dst(%arg8 : memref<128x64xf32, #tpu.memory_space<vmem>>)
        %mul3A_74 = arith.constant 128 : i32
        %mul3A_75 = arith.muli %add3A_54, %mul3A_74 : i32
        %add3A_76 = arith.addi %mul3A_2, %mul3A_75 : i32
        "tpu.region"() ({
          %run_scoped3A = tpu.sem_alloc : memref<!tpu.dma_semaphore, #tpu.memory_space<semaphore_mem>>
          %dma_start3A_84 = arith.constant 0 : i32
          %dma_start3A_85 = tpu.memref_slice %arg4[%add3A_76, %dma_start3A_84] : memref<106496x64xf32, #tpu.memory_space<hbm>> -> memref<128x64xf32, #tpu.memory_space<hbm>>
          %dma_start3A_86 = arith.constant 0 : i32
          %dma_start3A_87 = tpu.memref_slice %arg4[%add3A_76, %dma_start3A_86] : memref<106496x64xf32, #tpu.memory_space<hbm>> -> memref<128x64xf32, #tpu.memory_space<hbm>>
          tpu.enqueue_dma source(%arg8 : memref<128x64xf32, #tpu.memory_space<vmem>>) target(%dma_start3A_87 : memref<128x64xf32, #tpu.memory_space<hbm>>) target_semaphore(%run_scoped3A : memref<!tpu.dma_semaphore, #tpu.memory_space<semaphore_mem>>)
          %dma_wait3A_88 = arith.constant 0 : i32
          %dma_wait3A_89 = tpu.memref_slice %arg4[%add3A_76, %dma_wait3A_88] : memref<106496x64xf32, #tpu.memory_space<hbm>> -> memref<128x64xf32, #tpu.memory_space<hbm>>
          %dma_wait3A_90 = arith.constant 0 : i32
          %dma_wait3A_91 = tpu.memref_slice %arg4[%add3A_76, %dma_wait3A_90] : memref<106496x64xf32, #tpu.memory_space<hbm>> -> memref<128x64xf32, #tpu.memory_space<hbm>>
          tpu.wait_dma2 semaphore(%run_scoped3A : memref<!tpu.dma_semaphore, #tpu.memory_space<semaphore_mem>>) src(%arg8 : memref<128x64xf32, #tpu.memory_space<vmem>>) dst(%dma_wait3A_91 : memref<128x64xf32, #tpu.memory_space<hbm>>)
          tpu.yield
        }) : () -> ()
        %add3A_77 = arith.constant 4 : i32
        %add3A_78 = arith.addi %add3A_54, %add3A_77 : i32
        %lt3A_79 = arith.constant 26 : i32
        %lt3A_80 = arith.cmpi slt, %add3A_78, %lt3A_79 : i32
        %convert_element_type3A_81 = arith.extui %lt3A_80 : i1 to i32
        %cond3A_82 = arith.constant 0 : i32
        %cond3A_83 = arith.cmpi ne, %convert_element_type3A_81, %cond3A_82 : i32
        scf.if %cond3A_83 {
          %dma_start3A_84 = arith.constant 0 : i32
          %dma_start3A_85 = tpu.memref_slice %arg5[%add3A_78, %dma_start3A_84] : memref<26x128xi32, #tpu.memory_space<vmem>> -> memref<1x128xi32, #tpu.memory_space<vmem>>
          %dma_start3A_86 = tpu.memref_squeeze %dma_start3A_85 : memref<1x128xi32, #tpu.memory_space<vmem>> -> memref<128xi32, #tpu.memory_space<vmem>>
          %dma_start3A_87 = arith.constant 0 : i32
          %dma_start3A_88 = arith.constant 0 : i32
          %dma_start3A_89 = tpu.memref_slice %arg2[%dma_start3A_87, %dma_start3A_88] : memref<100000x64xf32, #tpu.memory_space<hbm>> -> memref<100000x64xf32, #tpu.memory_space<hbm>>
          tpu.enqueue_indirect_dma source(%dma_start3A_89 : memref<100000x64xf32, #tpu.memory_space<hbm>>) target(%arg8 : memref<128x64xf32, #tpu.memory_space<vmem>>) offsets(%dma_start3A_86 : memref<128xi32, #tpu.memory_space<vmem>>) semaphore(%arg12 : memref<!tpu.dma_semaphore, #tpu.memory_space<semaphore_mem>>)
        } else {
        }
      } else {
      }
      %mul3A_60 = arith.constant 4 : i32
      %mul3A_61 = arith.muli %mul3A_60, %scan3A_35 : i32
      %add3A_62 = arith.constant 3 : i32
      %add3A_63 = arith.addi %mul3A_61, %add3A_62 : i32
      %lt3A_64 = arith.constant 26 : i32
      %lt3A_65 = arith.cmpi slt, %add3A_63, %lt3A_64 : i32
      %convert_element_type3A_66 = arith.extui %lt3A_65 : i1 to i32
      %cond3A_67 = arith.constant 0 : i32
      %cond3A_68 = arith.cmpi ne, %convert_element_type3A_66, %cond3A_67 : i32
      scf.if %cond3A_68 {
        %dma_wait3A = arith.constant 0 : i32
        %dma_wait3A_69 = tpu.memref_slice %arg5[%add3A_63, %dma_wait3A] : memref<26x128xi32, #tpu.memory_space<vmem>> -> memref<1x128xi32, #tpu.memory_space<vmem>>
        %dma_wait3A_70 = tpu.memref_squeeze %dma_wait3A_69 : memref<1x128xi32, #tpu.memory_space<vmem>> -> memref<128xi32, #tpu.memory_space<vmem>>
        %dma_wait3A_71 = arith.constant 0 : i32
        %dma_wait3A_72 = arith.constant 0 : i32
        %dma_wait3A_73 = tpu.memref_slice %arg2[%dma_wait3A_71, %dma_wait3A_72] : memref<100000x64xf32, #tpu.memory_space<hbm>> -> memref<100000x64xf32, #tpu.memory_space<hbm>>
        tpu.wait_indirect_dma semaphore(%arg13 : memref<!tpu.dma_semaphore, #tpu.memory_space<semaphore_mem>>) src(%dma_wait3A_73 : memref<100000x64xf32, #tpu.memory_space<hbm>>) dst(%arg9 : memref<128x64xf32, #tpu.memory_space<vmem>>)
        %mul3A_74 = arith.constant 128 : i32
        %mul3A_75 = arith.muli %add3A_63, %mul3A_74 : i32
        %add3A_76 = arith.addi %mul3A_2, %mul3A_75 : i32
        "tpu.region"() ({
          %run_scoped3A = tpu.sem_alloc : memref<!tpu.dma_semaphore, #tpu.memory_space<semaphore_mem>>
          %dma_start3A_84 = arith.constant 0 : i32
          %dma_start3A_85 = tpu.memref_slice %arg4[%add3A_76, %dma_start3A_84] : memref<106496x64xf32, #tpu.memory_space<hbm>> -> memref<128x64xf32, #tpu.memory_space<hbm>>
          %dma_start3A_86 = arith.constant 0 : i32
          %dma_start3A_87 = tpu.memref_slice %arg4[%add3A_76, %dma_start3A_86] : memref<106496x64xf32, #tpu.memory_space<hbm>> -> memref<128x64xf32, #tpu.memory_space<hbm>>
          tpu.enqueue_dma source(%arg9 : memref<128x64xf32, #tpu.memory_space<vmem>>) target(%dma_start3A_87 : memref<128x64xf32, #tpu.memory_space<hbm>>) target_semaphore(%run_scoped3A : memref<!tpu.dma_semaphore, #tpu.memory_space<semaphore_mem>>)
          %dma_wait3A_88 = arith.constant 0 : i32
          %dma_wait3A_89 = tpu.memref_slice %arg4[%add3A_76, %dma_wait3A_88] : memref<106496x64xf32, #tpu.memory_space<hbm>> -> memref<128x64xf32, #tpu.memory_space<hbm>>
          %dma_wait3A_90 = arith.constant 0 : i32
          %dma_wait3A_91 = tpu.memref_slice %arg4[%add3A_76, %dma_wait3A_90] : memref<106496x64xf32, #tpu.memory_space<hbm>> -> memref<128x64xf32, #tpu.memory_space<hbm>>
          tpu.wait_dma2 semaphore(%run_scoped3A : memref<!tpu.dma_semaphore, #tpu.memory_space<semaphore_mem>>) src(%arg9 : memref<128x64xf32, #tpu.memory_space<vmem>>) dst(%dma_wait3A_91 : memref<128x64xf32, #tpu.memory_space<hbm>>)
          tpu.yield
        }) : () -> ()
        %add3A_77 = arith.constant 4 : i32
        %add3A_78 = arith.addi %add3A_63, %add3A_77 : i32
        %lt3A_79 = arith.constant 26 : i32
        %lt3A_80 = arith.cmpi slt, %add3A_78, %lt3A_79 : i32
        %convert_element_type3A_81 = arith.extui %lt3A_80 : i1 to i32
        %cond3A_82 = arith.constant 0 : i32
        %cond3A_83 = arith.cmpi ne, %convert_element_type3A_81, %cond3A_82 : i32
        scf.if %cond3A_83 {
          %dma_start3A_84 = arith.constant 0 : i32
          %dma_start3A_85 = tpu.memref_slice %arg5[%add3A_78, %dma_start3A_84] : memref<26x128xi32, #tpu.memory_space<vmem>> -> memref<1x128xi32, #tpu.memory_space<vmem>>
          %dma_start3A_86 = tpu.memref_squeeze %dma_start3A_85 : memref<1x128xi32, #tpu.memory_space<vmem>> -> memref<128xi32, #tpu.memory_space<vmem>>
          %dma_start3A_87 = arith.constant 0 : i32
          %dma_start3A_88 = arith.constant 0 : i32
          %dma_start3A_89 = tpu.memref_slice %arg2[%dma_start3A_87, %dma_start3A_88] : memref<100000x64xf32, #tpu.memory_space<hbm>> -> memref<100000x64xf32, #tpu.memory_space<hbm>>
          tpu.enqueue_indirect_dma source(%dma_start3A_89 : memref<100000x64xf32, #tpu.memory_space<hbm>>) target(%arg9 : memref<128x64xf32, #tpu.memory_space<vmem>>) offsets(%dma_start3A_86 : memref<128xi32, #tpu.memory_space<vmem>>) semaphore(%arg13 : memref<!tpu.dma_semaphore, #tpu.memory_space<semaphore_mem>>)
        } else {
        }
      } else {
      }
    }
    %scan3A_34 = arith.constant 7 : i32
    return
  }
}

module attributes {stable_mosaic.version = 14 : i64} {
  func.func @_proj_body(%arg0: i32, %arg1: memref<4000x128xf32, #tpu.memory_space<vmem>>, %arg2: memref<128x64xf32, #tpu.memory_space<vmem>>, %arg3: memref<1x64xf32, #tpu.memory_space<vmem>>, %arg4: memref<2000x128xf32, #tpu.memory_space<vmem>>) attributes {dimension_semantics = [#tpu.dimension_semantics<arbitrary>], iteration_bounds = array<i64: 25>, scalar_prefetch = 0 : i64, scratch_operands = 0 : i64, tpu.core_type = #tpu.core_type<tc>, window_params = [{transform_indices = @transform_0, window_bounds = array<i64: 4000, 128>}, {pipeline_mode = #tpu.pipeline_mode<synchronous>, transform_indices = @transform_1, window_bounds = array<i64: 128, 64>}, {pipeline_mode = #tpu.pipeline_mode<synchronous>, transform_indices = @transform_2, window_bounds = array<i64: 1, 64>}, {transform_indices = @transform_3, window_bounds = array<i64: 2000, 128>}]} {
    %get3A = arith.constant 0 : index
    %get3A_0 = arith.constant 0 : index
    %get3A_1 = vector.load %arg1[%get3A, %get3A_0] : memref<4000x128xf32, #tpu.memory_space<vmem>>, vector<4000x128xf32>
    %iota3A = tpu.iota {dimensions = array<i32: 0>} : vector<4000x1xi32>
    %mul3A = arith.constant 4000 : i32
    %mul3A_2 = arith.muli %arg0, %mul3A : i32
    %add3A = vector.broadcast %mul3A_2 : i32 to vector<4000x1xi32>
    %add3A_3 = arith.addi %iota3A, %add3A : vector<4000x1xi32>
    %eq3A = arith.constant 0 : i32
    %eq3A_4 = vector.broadcast %eq3A : i32 to vector<4000x1xi32>
    %eq3A_5 = arith.cmpi eq, %add3A_3, %eq3A_4 : vector<4000x1xi32>
    %jit3A = arith.constant 0.000000e+00 : f32
    %broadcast_in_dim3A = vector.shape_cast %eq3A_5 : vector<4000x1xi1> to vector<4000x1xi1>
    %broadcast_in_dim3A_6 = vector.broadcast %broadcast_in_dim3A : vector<4000x1xi1> to vector<4000x128xi1>
    %broadcast_in_dim3A_7 = vector.broadcast %jit3A : f32 to vector<4000x128xf32>
    %select_n3A = arith.select %broadcast_in_dim3A_6, %broadcast_in_dim3A_7, %get3A_1 : vector<4000x128xi1>, vector<4000x128xf32>
    %get3A_8 = arith.constant 0 : index
    %get3A_9 = arith.constant 0 : index
    %get3A_10 = vector.load %arg2[%get3A_8, %get3A_9] : memref<128x64xf32, #tpu.memory_space<vmem>>, vector<128x64xf32>
    %dot_general3A = arith.constant dense<0.000000e+00> : vector<4000x64xf32>
    %dot_general3A_11 = tpu.matmul %select_n3A, %get3A_10, %dot_general3A {dimension_numbers = #tpu.dot_dimension_numbers<[1], [0], [0], [1], [0, 0, 1, 1], [], []>, transpose_lhs_hint = false} : vector<4000x128xf32>, vector<128x64xf32>, vector<4000x64xf32> -> vector<4000x64xf32>
    %get3A_12 = arith.constant 0 : index
    %get3A_13 = arith.constant 0 : index
    %get3A_14 = vector.load %arg3[%get3A_12, %get3A_13] : memref<1x64xf32, #tpu.memory_space<vmem>>, vector<1x64xf32>
    %add3A_15 = vector.broadcast %get3A_14 : vector<1x64xf32> to vector<4000x64xf32>
    %add3A_16 = arith.addf %dot_general3A_11, %add3A_15 : vector<4000x64xf32>
    %slice3A = vector.extract_strided_slice %add3A_16 {offsets = [0, 0], sizes = [2000, 64], strides = [1, 1]} : vector<4000x64xf32> to vector<2000x64xf32>
    %slice3A_17 = vector.extract_strided_slice %add3A_16 {offsets = [2000, 0], sizes = [2000, 64], strides = [1, 1]} : vector<4000x64xf32> to vector<2000x64xf32>
    %concatenate3A = tpu.concatenate %slice3A, %slice3A_17 in 1 : vector<2000x64xf32>, vector<2000x64xf32> -> vector<2000x128xf32>
    %swap3A = arith.constant 0 : index
    %swap3A_18 = arith.constant 0 : index
    %swap3A_19 = vector.load %arg4[%swap3A, %swap3A_18] : memref<2000x128xf32, #tpu.memory_space<vmem>>, vector<2000x128xf32>
    tpu.vector_store %arg4[%swap3A, %swap3A_18], %concatenate3A {strides = array<i32>} : memref<2000x128xf32, #tpu.memory_space<vmem>>, vector<2000x128xf32>,
    return
  }
  func.func @transform_0(%arg0: i32) -> (i32, i32) {
    %c0_i32 = arith.constant 0 : i32
    %c0_i32_0 = arith.constant 0 : i32
    return %arg0, %c0_i32 : i32, i32
  }
  func.func @transform_1(%arg0: i32) -> (i32, i32) {
    %c0_i32 = arith.constant 0 : i32
    %c0_i32_0 = arith.constant 0 : i32
    %c0_i32_1 = arith.constant 0 : i32
    return %c0_i32, %c0_i32_0 : i32, i32
  }
  func.func @transform_2(%arg0: i32) -> (i32, i32) {
    %c0_i32 = arith.constant 0 : i32
    %c0_i32_0 = arith.constant 0 : i32
    %c0_i32_1 = arith.constant 0 : i32
    return %c0_i32, %c0_i32_0 : i32, i32
  }
  func.func @transform_3(%arg0: i32) -> (i32, i32) {
    %c0_i32 = arith.constant 0 : i32
    %c0_i32_0 = arith.constant 0 : i32
    return %arg0, %c0_i32 : i32, i32
  }
}

</mosaic_0001>

<sc_bundles>
// kernel: kernel.4.cloned.1.call-start
scs
__scs_entry_jumppad:
0x0: {  	(pc) =	sbr.rel $0x88, $3  }
0x1: {  	(tag) =	ssettag $0x0;
	lr =	simm.s32 $0x1  }
0x2: {  	[smem:$0x3F9D] =	sst lr;
	_ =	strace $0xD0000000  }
0x3: {  	_ = 	snop  }
0x4: {  	_ = 	snop  }
0x5: {  	_ = 	snop  }
0x6: {  	_ = 	snop  }
0x7: {  	_ = 	snop  }
__scs_overlays_trampoline_lowered:
0x8: {  	[smem:$0x3FAC] =	sst s0  }
0x9: {  	[smem:$0x3FAD] =	sst s1  }
0xa: {  	[smem:$0x3FAE] =	sst s2  }
0xb: {  	[smem:$0x3FAF] =	sst s3  }
0xc: {  	[smem:$0x3FB0] =	sst s4  }
0xd: {  	[smem:$0x3FB1] =	sst s5  }
0xe: {  	[smem:$0x3FB2] =	sst s6  }
0xf: {  	[smem:$0x3FB3] =	sst s7  }
0x10: {  	[smem:$0x3FB4] =	sst s8  }
0x11: {  	[smem:$0x3FB5] =	sst s9;
	s0 =	simm.s32 @!p0 $0x0  }
0x12: {  	s1 =	sld [smem:$0x3F9B];
	s0 =	simm.s32 @p0 $0x1  }
0x13: {  	[smem:$0x3FB6] =	sst s0;
	s0 =	simm.s32 @!p1 $0x0  }
0x14: {  	s2 =	sld [smem:$0x3F9A];
	s0 =	simm.s32 @p1 $0x1  }
0x15: {  	[smem:$0x3FB7] =	sst s0;
	s0 =	simm.s32 @!p2 $0x0  }
0x16: {  	s3 =	sld [smem:$0x3FDB];
	s0 =	simm.s32 @p2 $0x1  }
0x17: {  	s4 =	simm.s32 $0x1BF5;
	[smem:$0x3FB9] =	sst s0  }
0x18: {  	s0 =	sld [smem:$0x3F9C];
	_ =	swait.ge [sflag:s4], $0x0  }
0x19: {  	s7 =	sld [smem:$0x3F9D]  }
0x1a: {  	s8 =	sadd.s32 $0xFFFFE003, lr  }
0x1b: {  	s9 =	sadd.s32 $0xFFFFFEF7, lr;
	s5 =	simm.s32 $0xFFFFFFFF;
	p2 =	slt.u32 s8, $0xFFFFF086  }
0x1c: {  	p1 =	slt.u32 s9, $0xF7A;
	s5 =	simm.s32 @!p2 $0x0  }
0x1d: {  	s5 =	simm.s32 @p1 $0x1;
	p0 =	seq.s32 s7, s2  }
0x1e: {  	s7 =	smul.u32 @!p0 $0xF7A, s2;
	p2 =	seq.s32 @!p0 s5, $0x0  }
0x1f: {  	s9 =	smul.u32 $0xF7A, s1;
	s8 =	simm.s32 @!p0 $0x1BF5;
	p2 =	por !p2, p0  }
0x20: {  	[sflag:s8] =	ssyncset.s32 @!p0 $0xFFFFF086;
	s6 =	sadd.s32 @!p0 s3, s7;
	s7 =	simm.s32 @!p0 $0x108  }
0x21: {  	s3 =	sadd.s32 s3, s9;
	s6 =	sadd.s32 @!p0 $0x88, s6;
	s7 =	simm.s32 @p2 $0x1082  }
0x22: {  	[simem:s7], [sflag:s8] =	dma.local @!p0 [hbm:s6], $0xF7A  }
0x23: {  	s9 =	sor.u32 $0xD0000000, s2;
	s6 =	simm.s32 $0x108;
	_ =	swait.ge @!p0 [sflag:s8], $0x0  }
0x24: {  	s3 =	sadd.s32 $0x88, s3;
	s6 =	simm.s32 @!p1 $0x1082;
	[sflag:s4] =	ssyncset.s32 $0xFFFFF086  }
0x25: {  	[simem:s6], [sflag:s4] =	dma.local [hbm:s3], $0xF7A  }
0x26: {  	[smem:$0x3F9D] =	sst s1;
	(tag) =	ssettag s2;
	_ =	strace s9  }
0x27: {  	s1 =	sld [smem:$0x3FAD]  }
0x28: {  	s2 =	sld [smem:$0x3FAE]  }
0x29: {  	s4 =	sld [smem:$0x3FB0]  }
0x2a: {  	p0 =	seq.s32 s5, $0x0;
	s5 =	sld [smem:$0x3FB1]  }
0x2b: {  	s6 =	sld [smem:$0x3FB2]  }
0x2c: {  	s7 =	sld [smem:$0x3FB3]  }
0x2d: {  	s3 =	simm.s32 $0x108;
	s8 =	sld [smem:$0x3FB4]  }
0x2e: {  	s3 =	simm.s32 @!p0 $0x1082;
	s9 =	sld [smem:$0x3FB5]  }
0x2f: {  	lr =	sadd.s32 s0, s3;
	s0 =	sld [smem:$0x3FAC]  }
0x30: {  	s3 =	sld [smem:$0x3FAF]  }
0x31: {  	[smem:$0x3FB8] =	sst s10  }
0x32: {  	s10 =	sld [smem:$0x3FB6];
	_ =	sdelay $0x3  }
0x33: {  	p0 =	seq.s32 s10, $0x1;
	s10 =	sld [smem:$0x3FB8];
	_ =	sdelay $0x3  }
0x34: {  	[smem:$0x3FB8] =	sst s10  }
0x35: {  	s10 =	sld [smem:$0x3FB7];
	_ =	sdelay $0x3  }
0x36: {  	p1 =	seq.s32 s10, $0x1;
	s10 =	sld [smem:$0x3FB8];
	_ =	sdelay $0x3  }
0x37: {  	[smem:$0x3FB8] =	sst s10  }
0x38: {  	s10 =	sld [smem:$0x3FB9]  }
0x39: {  	_ = 	snop;
	(pc) =	sbr.ind lr, $3  }
0x3a: {  	_ = 	snop  }
0x3b: {  	_ = 	snop  }
0x3c: {  	p2 =	seq.s32 s10, $0x1;
	s10 =	sld [smem:$0x3FB8]  }
0x3d: {  	_ =	shalt  }
0x3e: {  	_ =	shalt  }
0x3f: {  	_ =	shalt  }
0x40: {  	_ =	shalt  }
0x41: {  	_ =	shalt  }
0x42: {  	_ =	shalt  }
0x43: {  	_ =	shalt  }
0x44: {  	_ =	shalt  }
0x45: {  	_ =	shalt  }
0x46: {  	_ =	shalt  }
0x47: {  	_ =	shalt  }
0x48: {  	_ =	shalt  }
0x49: {  	_ =	shalt  }
0x4a: {  	_ =	shalt  }
0x4b: {  	_ =	shalt  }
0x4c: {  	_ =	shalt  }
0x4d: {  	_ =	shalt  }
0x4e: {  	_ =	shalt  }
0x4f: {  	_ =	shalt  }
0x50: {  	_ =	shalt  }
0x51: {  	_ =	shalt  }
0x52: {  	_ =	shalt  }
0x53: {  	_ =	shalt  }
0x54: {  	_ =	shalt  }
0x55: {  	_ =	shalt  }
0x56: {  	_ =	shalt  }
0x57: {  	_ =	shalt  }
0x58: {  	_ =	shalt  }
0x59: {  	_ =	shalt  }
0x5a: {  	_ =	shalt  }
0x5b: {  	_ =	shalt  }
0x5c: {  	_ =	shalt  }
0x5d: {  	_ =	shalt  }
0x5e: {  	_ =	shalt  }
0x5f: {  	_ =	shalt  }
0x60: {  	_ =	shalt  }
0x61: {  	_ =	shalt  }
0x62: {  	_ =	shalt  }
0x63: {  	_ =	shalt  }
0x64: {  	_ =	shalt  }
0x65: {  	_ =	shalt  }
0x66: {  	_ =	shalt  }
0x67: {  	_ =	shalt  }
0x68: {  	_ =	shalt  }
0x69: {  	_ =	shalt  }
0x6a: {  	_ =	shalt  }
0x6b: {  	_ =	shalt  }
0x6c: {  	_ =	shalt  }
0x6d: {  	_ =	shalt  }
0x6e: {  	_ =	shalt  }
0x6f: {  	_ =	shalt  }
0x70: {  	_ =	shalt  }
0x71: {  	_ =	shalt  }
0x72: {  	_ =	shalt  }
0x73: {  	_ =	shalt  }
0x74: {  	_ =	shalt  }
0x75: {  	_ =	shalt  }
0x76: {  	_ =	shalt  }
0x77: {  	_ =	shalt  }
0x78: {  	_ =	shalt  }
0x79: {  	_ =	shalt  }
0x7a: {  	_ =	shalt  }
0x7b: {  	_ =	shalt  }
0x7c: {  	_ =	shalt  }
0x7d: {  	_ =	shalt  }
0x7e: {  	_ =	shalt  }
0x7f: {  	_ =	shalt  }
0x80: {  	_ =	shalt  }
0x81: {  	_ =	shalt  }
0x82: {  	_ =	shalt  }
0x83: {  	_ =	shalt  }
0x84: {  	_ =	shalt  }
0x85: {  	_ =	shalt  }
0x86: {  	_ =	shalt  }
0x87: {  	_ =	shalt  }
.Lfunc_end0:
.L_simem_size_0:
called_computation_lowered:
.L_overlay_start_0:
0x88: {  	s2 =	sld [smem:$0x3FD9]  }
0x89: {  	s3 =	sld [smem:$0x3FFE];
	_ =	sdelay $0x1  }
0x8a: {  	s1 =	srdreg.scid  }
0x8b: {  	s0 =	sand.u32 $0x1, s1  }
0x8c: {  	s17 =	sshll.u32 s0, $0xA;
	s2 =	sadd.s32 s3, s2  }
0x8d: {  	s2 =	sadd.s32 s2, s17  }
0x8e: {  	[smem:$0x3FC4] =	sst s2  }
0x8f: {  	_ = 	snop  }
0x90: {  	s2 =	sld [smem:$0x3FD0];
	(tm) =	ssettm $0x1  }
0x91: {  	s18 =	sld [smem:$0x3FFB];
	_ =	sdelay $0x3  }
0x92: {  	_ =	strace s18  }
0x93: {  	s3 =	sld [smem:$0x3FFC];
	_ =	sdelay $0x3  }
0x94: {  	_ =	strace s3  }
0x95: {  	s3 =	sld [smem:$0x3FFD];
	_ =	sdelay $0x3  }
0x96: {  	_ =	strace s3  }
0x97: {  	_ =	strace $0x8FFFFFFF  }
0x98: {  	s19 =	sld [smem:$0x3FDB];
	_ =	sdelay $0x1  }
0x99: {  	s4 =	simm.s32 $_scs_section_size  }
0x9a: {  	s5 =	simm.s32 $_size__tile_overlayer_lowered;
	s6 =	simm.s32 $_tile_overlayer_lowered  }
0x9b: {  	s22 =	simm.s32 $0x1BFF;
	s21 =	sshll.u32 s6, $0x1;
	s3 =	sadd.s32 s4, s19  }
0x9c: {  	s7 =	simm.s32 $0x0;
	s20 =	sshll.u32 s5, $0x1;
	s5 =	sadd.s32 s21, s3  }
0x9d: {  	[timem:s7], [sflag:s22] =	dma.local [hbm:s5], s20  }
0x9e: {  	_ =	swait.ge [sflag:s22], s20  }
0x9f: {  	s4 =	ssub.s32 $0x0, s20;
	[sflag:s22] =	ssyncset.done $0x0  }
0xa0: {  	[sflag:s22] =	ssyncadd.s32 s4;
	_ =	sdelay $0x1  }
0xa1: {  	s23 =	simm.s32 $0x1B8B  }
0xa2: {  	_ =	swait.ge [sflag:s23], $0x1  }
0xa3: {  	[sflag:s23] =	ssyncset.done $0x0  }
0xa4: {  	s25 =	simm.s32 $0x1B8E;
	s24 =	sld [smem:$0x3FFE];
	[sflag:s23] =	ssyncadd.s32 $0xFFFFFFFF  }
0xa5: {  	s26 =	simm.s32 $execute0_lowered;
	[smem:$0x3FD2] =	sst s25  }
0xa6: {  	s5 =	sshll.u32 s26, $0x1;
	_ =	strace $0x80000046;
	[dreg:$0x1] =	wrdreg $0xFFFFFFFF  }
0xa7: {  	s28 =	simm.s32 $_size_execute0_lowered;
	s3 =	sadd.s32 s3, s5;
	[dreg:$0x0] =	wrdreg $0x0  }
0xa8: {  	s5 =	sshll.u32 s28, $0x1;
	[dreg:$0x2] =	wrdreg s3  }
0xa9: {  	[dreg:$0x3] =	wrdreg s5  }
0xaa: {  	[dreg:$0x4] =	wrdreg $0xC0  }
0xab: {  	_ =	task [dreg:s7], $0x5FFFF  }
0xac: {  	[dreg:$0x1] =	wrdreg $0xFFFFFFFF  }
0xad: {  	[dreg:$0x0] =	wrdreg $0x60  }
0xae: {  	[dreg:$0x2] =	wrdreg s2  }
0xaf: {  	[dreg:$0x3] =	wrdreg s24  }
0xb0: {  	[dreg:$0x4] =	wrdreg $0x9  }
0xb1: {  	_ =	task.clear_ibuf [dreg:s7], $0x5FFFF;
	_ =	strace $0x90000046  }
0xb2: {  	s29 =	simm.s32 $0x9;
	_ =	strace $0x80000048  }
0xb3: {  	_ =	swait.ge [sflag:s29], $0x1  }
0xb4: {  	[sflag:s29] =	ssyncadd.s32 $0xFFFFFFFF  }
0xb5: {  	_ =	strace $0x90000048  }
0xb6: {  	_ =	sfence  }
0xb7: {  	s30 =	sld [smem:$0x0];
	_ =	sdelay $0x2  }
0xb8: {  	s31 =	sshll.u32 s1, $0xD;
	s1 =	sshrl.u32 s1, $0x2  }
0xb9: {  	s3 =	sand.u32 $0x4000, s31;
	s1 =	sadd.s32 s1, s30  }
0xba: {  	s0 =	sor.u32 s3, s0;
	s1 =	sshll.u32 s1, $0x11  }
0xbb: {  	s0 =	sor.u32 s1, s0  }
0xbc: {  	s0 =	sadd.s32 $0x8F2B, s0  }
0xbd: {  	[sflag:s0] =	ssyncadd.remote.s32 $0x1  }
0xbe: {  	_ =	sfence.sel $0xFFFF  }
0xbf: {  	[dreg:$0x0] =	wrdreg $0xFFFFFFFF;
	(pc) =	sbr.abs _section_cstart, $3  }
0xc0: {  	[dreg:$0x1] =	wrdreg $0xFFFFFFFF  }
0xc1: {  	_ =	task.clear_ibuf [dreg:s7], $0x2FFFF;
	_ =	strace $0x9FFFFFFF  }
0xc2: {  	(tm) =	ssettm $0x7FFFFFFF  }
0xc3: {  	_ =	shalt  }
tec
execute0_lowered:
.L_overlay_start_1:
0x0: {  	(tag) =	ssettag $0x1  }
0x1: {  	s1 =	srdreg.scid  }
0x2: {  	s0 =	stileid.u32;
	s2 =	rddreg [dreg:$0x0]  }
0x3: {  	s5 =	rddreg [dreg:$0x1];
	s3 =	simm.s32 $0x0;
	s12 =	simm.s32 $0xD00  }
0x4: {  	s13 =	simm.s32 $0x2D00;
	s15 =	simm.s32 $0x4D00;
	s16 =	simm.s32 $0x180  }
0x5: {  	s17 =	simm.s32 $0x6D00;
	s18 =	simm.s32 $0x1;
	s19 =	simm.s32 $0x2  }
0x6: {  	s4 =	sand.u32 $0x1, s1;
	s26 =	sshll.u32 s0, $0x1;
	s7 =	smul.u32 $0x68000, s0  }
0x7: {  	s20 =	simm.s32 $0x0;
	s1 =	sor.u32 s4, s26;
	s8 =	smul.u32 $0x34000, s4  }
0x8: {  	[smem:$0x7FF] =	sst s3;
	s9 =	sadd.s32 $0x3A00, s5;
	s6 =	smul.u32 $0x1A0, s1  }
0x9: {  	_ =	strace $0x80000047;
	s4 =	ssub.s32 $0x2, s4;
	s7 =	sadd.s32 s8, s7  }
0xa: {  	s28 =	sshrl.u32 s4, $0x1;
	s6 =	sadd.s32 s6, s5;
	s8 =	sadd.s32 $0x6000, s7  }
0xb: {  	s5 =	ssub.s32 s4, s28;
	s30 =	sor.u32 $0x2000, s7;
	s10 =	sshrl.u32 s7, $0x3  }
0xc: {  	s11 =	sadd.s32 $0x4000, s7;
	s4 =	sadd.s32 $0x600, s6;
	s29 =	sshrl.u32 s8, $0x3  }
0xd: {  	s5 =	smax.u32 s5, $0x1;
	s8 =	sshrl.u32 s30, $0x3;
	s31 =	sshrl.u32 s11, $0x3  }
0xe: {  	s11 =	simm.s32 $0x80;
	s6 =	sadd.s32 s29, s9;
	s7 =	sadd.s32 s8, s9  }
0xf: {  	s8 =	sadd.s32 s10, s9;
	s9 =	sadd.s32 s31, s9;
	s10 =	simm.s32 $0x5  }
.LBB2_1:
0x10: {  	[tilespmem:s3], [sflag:$0x5] =	stream.linear.gather [hbm4b:s4+s3], $0xD00, $0x38;
	[tilespmem:$0x8D00] =	vst v63  }
0x11: {  	_ =	swait.ge [sflag:s10], $0xD00  }
0x12: {  	[sflag:s10] =	ssyncset.done $0x0  }
0x13: {  	[sflag:s10] =	ssyncadd.s32 $0xFFFFF300  }
0x14: {  	[tilespmem:s12], [sflag:$0x1] =	stream.indirect.gather [hbm4b:s2+s11], $0x40, s3, s11, $0xb8;
	[tilespmem:$0x8D00] =	vst v63  }
0x15: {  	s0 =	simm.s32 $0x100;
	s21 =	simm.s32 $0x2  }
0x16: {  	[tilespmem:s13], [sflag:$0x2] =	stream.indirect.gather [hbm4b:s2+s11], $0x40, s11, s11, $0xb8;
	[tilespmem:$0x8D00] =	vst v63  }
0x17: {  	s22 =	smov.u32 s9;
	s23 =	smov.u32 s8;
	s24 =	smov.u32 s7  }
0x18: {  	[tilespmem:s15], [sflag:$0x3] =	stream.indirect.gather [hbm4b:s2+s11], $0x40, s0, s11, $0xb8;
	[tilespmem:$0x8D00] =	vst v63  }
0x19: {  	s25 =	smov.u32 s6;
	s26 =	simm.s32 $0x0;
	s28 =	simm.s32 $0x0  }
0x1a: {  	[tilespmem:s17], [sflag:$0x4] =	stream.indirect.gather [hbm4b:s2+s11], $0x40, s16, s11, $0xb8;
	[tilespmem:$0x8D00] =	vst v63  }
.LBB2_2:
0x1b: {  	_ =	swait.ge [sflag:s18], $0x2000  }
0x1c: {  	[sflag:s18] =	ssyncset.done $0x0  }
0x1d: {  	[sflag:s18] =	ssyncadd.s32 $0xFFFFE000  }
0x1e: {  	[hbm4b:s23+s3] =	stream.linear.scatter [tilespmem:s12], [sflag:$0x5], $0x2000, $0x38;
	[tilespmem:$0x8D00] =	vst v63  }
0x1f: {  	p0 =	seq.s32 s26, $0x3000;
	_ =	swait.ge [sflag:s10], $0x2000  }
0x20: {  	s29 =	sshra.s32 @!p0 s26, $0x2;
	s31 =	simm.s32 @!p0 $0x80;
	[sflag:s10] =	ssyncset.done $0x0  }
0x21: {  	s1 =	simm.s32 @!p0 $0xD00;
	s30 =	sadd.s32 @!p0 $0x200, s29;
	[sflag:s10] =	ssyncadd.s32 $0xFFFFE000  }
0x22: {  	[tilespmem:s1], [sflag:$0x1] =	stream.indirect.gather @!p0 [hbm4b:s2+s31], $0x40, s30, s31, $0xb8;
	[tilespmem:$0x8D00] =	vst v63  }
0x23: {  	_ =	swait.ge [sflag:s19], $0x2000  }
0x24: {  	[sflag:s19] =	ssyncset.done $0x0  }
0x25: {  	[sflag:s19] =	ssyncadd.s32 $0xFFFFE000  }
0x26: {  	[hbm4b:s24+s3] =	stream.linear.scatter [tilespmem:s13], [sflag:$0x5], $0x2000, $0x38;
	[tilespmem:$0x8D00] =	vst v63  }
0x27: {  	p2 =	sgt.u32 @!p0 s21, $0x19;
	_ =	swait.ge [sflag:s10], $0x2000  }
0x28: {  	p1 =	por p2, p0;
	[sflag:s10] =	ssyncset.done $0x0  }
0x29: {  	s1 =	sadd.s32 @!p0 $0x280, s29;
	s29 =	simm.s32 @!p0 $0x2D00;
	[sflag:s10] =	ssyncadd.s32 $0xFFFFE000  }
0x2a: {  	[tilespmem:s29], [sflag:$0x2] =	stream.indirect.gather @!p0 [hbm4b:s2+s31], $0x40, s1, s31, $0xb8;
	[tilespmem:$0x8D00] =	vst v63  }
0x2b: {  	s1 =	simm.s32 @!p1 $0x3  }
0x2c: {  	_ =	swait.ge @!p1 [sflag:s1], $0x2000  }
0x2d: {  	p3 =	sgt.u32 @!p1 s28, $0x4;
	[sflag:s1] =	ssyncset.done @!p1 $0x0  }
0x2e: {  	s29 =	simm.s32 @!p1 $0x4D00;
	[sflag:s1] =	ssyncadd.s32 @!p1 $0xFFFFE000;
	s1 =	simm.s32 @!p1 $0x0  }
0x2f: {  	[hbm4b:s22+s1] =	stream.linear.scatter @!p1 [tilespmem:s29], [sflag:$0x5], $0x2000, $0x38;
	[tilespmem:$0x8D00] =	vst v63  }
0x30: {  	p2 =	por @!p0 p3, p2;
	s29 =	simm.s32 @!p1 $0x5  }
0x31: {  	p2 =	por p2, p0;
	_ =	swait.ge @!p1 [sflag:s29], $0x2000  }
0x32: {  	s0 =	simm.s32 @!p2 $0x80;
	s30 =	sshra.s32 @!p2 s26, $0x2;
	[sflag:s29] =	ssyncset.done @!p1 $0x0  }
0x33: {  	s14 =	simm.s32 @!p2 $0x4D00;
	s31 =	sadd.s32 @!p2 $0x300, s30;
	[sflag:s29] =	ssyncadd.s32 @!p1 $0xFFFFE000  }
0x34: {  	[tilespmem:s14], [sflag:$0x3] =	stream.indirect.gather @!p2 [hbm4b:s2+s0], $0x40, s31, s0, $0xb8;
	[tilespmem:$0x8D00] =	vst v63  }
0x35: {  	s14 =	simm.s32 @!p1 $0x4  }
0x36: {  	_ =	swait.ge @!p1 [sflag:s14], $0x2000  }
0x37: {  	[sflag:s14] =	ssyncset.done @!p1 $0x0  }
0x38: {  	[sflag:s14] =	ssyncadd.s32 @!p1 $0xFFFFE000;
	s14 =	simm.s32 @!p1 $0x6D00  }
0x39: {  	[hbm4b:s25+s1] =	stream.linear.scatter @!p1 [tilespmem:s14], [sflag:$0x5], $0x2000, $0x38;
	[tilespmem:$0x8D00] =	vst v63  }
0x3a: {  	_ =	swait.ge @!p1 [sflag:s29], $0x2000  }
0x3b: {  	s26 =	sadd.s32 @!p0 $0x800, s26;
	[sflag:s29] =	ssyncset.done @!p1 $0x0  }
0x3c: {  	[sflag:s29] =	ssyncadd.s32 @!p1 $0xFFFFE000;
	p1 =	sne.s32 @!p0 s26, $0x3800  }
0x3d: {  	p1 =	por p0, !p1  }
.Ltmp0:
0x3e: {  	_ = 	snop;
	(pc) =	sbr.rel @!p1 .LBB2_2-.Ltmp0, $4  }
0x3f: {  	s21 =	sadd.s32 @!p0 $0x4, s21;
	s28 =	sadd.s32 @!p0 $0x1, s28  }
0x40: {  	s23 =	sadd.s32 @!p0 $0x1000, s23;
	s24 =	sadd.s32 @!p0 $0x1000, s24;
	s22 =	sadd.s32 @!p0 $0x1000, s22  }
0x41: {  	s1 =	sadd.s32 @!p2 $0x380, s30;
	s14 =	simm.s32 @!p2 $0x6D00;
	s25 =	sadd.s32 @!p0 $0x1000, s25  }
0x42: {  	[tilespmem:s14], [sflag:$0x4] =	stream.indirect.gather @!p2 [hbm4b:s2+s0], $0x40, s1, s0, $0xb8;
	[tilespmem:$0x8D00] =	vst v63  }
0x43: {  	s20 =	sadd.s32 $0x1, s20  }
0x44: {  	p0 =	sne.s32 s20, s5  }
.Ltmp1:
0x45: {  	_ = 	snop;
	(pc) =	sbr.rel @p0 .LBB2_1-.Ltmp1, $1  }
0x46: {  	_ =	sdelay $0x3  }
0x47: {  	_ =	sfence.sel $0x180000  }
0x48: {  	[bflag:$0x0] =	sbarrier.arrive $0xFFFF  }
0x49: {  	_ =	strace $0x90000047  }
0x4a: {  	s0 =	stileid.u32;
	[bflag:$0x2] =	sbarrier.arrive $0xFFFF  }
0x4b: {  	p0 =	sne.s32 s0, $0x0;
	s0 =	rddreg [dreg:$0x2]  }
0x4c: {  	s0 =	sadd.s32 @!p0 $0x100000, s0  }
0x4d: {  	[sflag:s0] =	ssyncadd.tile.s32 @!p0 $0x1;
	_ =	shalt  }
.Lfunc_end2:
_tile_overlayer_lowered:
.L_overlay_start_2:
0x4e: {  	(tag) =	ssettag $0x2  }
0x4f: {  	s0 =	rddreg [dreg:$0x0];
	s2 =	stileid.u32  }
0x50: {  	s1 =	rddreg [dreg:$0x1];
	p0 =	sne.s32 s2, $0x0  }
0x51: {  	s3 =	rddreg [dreg:$0x2];
	[bflag:$0x3] =	sbarrier.arrive $0xFFFF;
	s2 =	simm.s32 @!p0 $0x1C05  }
0x52: {  	[timem:s3], [sflag:s2] =	dma.local @!p0 [hbm:s0], s1  }
0x53: {  	s0 =	simm.s32 @!p0 $0x5  }
0x54: {  	_ =	swait.ge @!p0 [sflag:s0], s1  }
0x55: {  	s1 =	ssub.s32 @!p0 $0x0, s1;
	[sflag:s0] =	ssyncset.done @!p0 $0x0  }
0x56: {  	[sflag:s0] =	ssyncadd.s32 @!p0 s1  }
0x57: {  	[bflag:$0x3] =	sbarrier.arrive $0xFFFF  }
0x58: {  	_ =	shalt  }

</sc_bundles>
